<compile_context>
chip_gen: v7x
topology: tpu7x:2x2x1
jax: 0.10.2.dev20260603
libtpu: 0.0.44.dev20260713+nightly
codegen_flags: <defaults>
</compile_context>

<pallas_src>
import functools

import jax
import jax.numpy as jnp
from jax import lax
from jax.experimental import pallas as pl
from jax.experimental.pallas import tpu as pltpu
from jax.experimental.pallas import tpu_sc as plsc

N_USERS = 100000
D_BIAS = 64
BATCH = 4096

_INFO = plsc.get_sparse_core_info()
_NC = _INFO.num_cores
_NS = _INFO.num_subcores
_NL = _INFO.num_lanes
_NW = _NC * _NS
_ROWS_PER_W = D_BIAS // _NW


@functools.partial(
    pl.kernel,
    mesh=plsc.VectorSubcoreMesh(core_axis_name="c", subcore_axis_name="s"),
    out_type=jax.ShapeDtypeStruct((D_BIAS, BATCH), jnp.float32),
    scratch_types=[
        pltpu.VMEM((BATCH,), jnp.int32),
        pltpu.VMEM((N_USERS,), jnp.float32),
        pltpu.VMEM((_ROWS_PER_W, BATCH), jnp.float32),
        pltpu.SemaphoreType.DMA,
        pltpu.SemaphoreType.DMA,
        pltpu.SemaphoreType.DMA,
    ],
    compiler_params=pltpu.CompilerParams(needs_layout_passes=False),
)
def _sc_gather_t(
    wt_hbm, idx_hbm, out_hbm, idx_v, row_v, out_v, sem_i, sem_r, sem_o
):
    wid = lax.axis_index("s") * _NC + lax.axis_index("c")
    cp_idx = pltpu.make_async_copy(idx_hbm, idx_v, sem_i)
    cp_idx.start()
    d0 = wid * _ROWS_PER_W
    cp_row0 = pltpu.make_async_copy(wt_hbm.at[d0], row_v, sem_r)
    cp_row0.start()
    cp_idx.wait()

    out_cps = []
    for r in range(_ROWS_PER_W):
        d = wid * _ROWS_PER_W + r
        cp_row = pltpu.make_async_copy(wt_hbm.at[d], row_v, sem_r)
        if r > 0:
            cp_row.start()
        cp_row.wait()

        def body(g, carry):
            idx16 = idx_v[pl.ds(g * _NL, _NL)]
            out_v[r, pl.ds(g * _NL, _NL)] = plsc.load_gather(row_v, [idx16])
            return carry

        lax.fori_loop(0, BATCH // _NL, body, 0, unroll=8)
        cp_out = pltpu.make_async_copy(out_v.at[r], out_hbm.at[d], sem_o)
        cp_out.start()
        out_cps.append(cp_out)
    for cp_out in out_cps:
        cp_out.wait()


def kernel(user_id, weight):
    out_t = _sc_gather_t(weight.T, user_id.astype(jnp.int32))
    return out_t.T

# --- scband reference (transcript-rebuilt; emitter-appended) ---
"""Pipeline reference for scband-user-bias-81844896793104 (READ-ONLY COPY).

The authoritative reference and input builder live on the scoring server;
editing this copy changes nothing except your own understanding.
"""

import jax, jax.numpy as jnp
import numpy as np

N_USERS = 100000
D_BIAS = 64
BATCH = 4096

def setup_inputs(seed: int = 0) -> dict:
    key = jax.random.key(seed)
    k1, k2 = jax.random.split(key)
    user_id = jax.random.randint(k1, (BATCH,), 0, N_USERS, dtype=jnp.int64 if jax.config.jax_enable_x64 else jnp.int32)
    # Module initializes embedding weight to zeros; use small random values instead of
    # exact zeros would make numerics degenerate, but to stay faithful to init we use zeros.
    # For a meaningful numeric check, populate with small normal values (pretend trained).
    weight = jax.random.normal(k2, (N_USERS, D_BIAS), dtype=jnp.float32) * 0.02
    return {"user_id": user_id, "weight": weight}

def reference(user_id, weight):
    # nn.Embedding forward: gather rows of the table by index.
    return jnp.take(weight, user_id, axis=0)

if __name__ == "__main__":
    import jax
    _d = setup_inputs()
    print(jax.jit(kernel)(*tuple(_d.values())))

</pallas_src>

<mosaic_0001>
#map = affine_map<(d0, d1) -> (0, 0)>
#map1 = affine_map<(d0, d1) -> (0)>
module attributes {stable_mosaic.version = 14 : i64} {
  func.func @_sc_gather_t(%arg0: i32, %arg1: i32, %arg2: memref<64x100000xf32, #tpu.memory_space<hbm>>, %arg3: memref<4096xi32, #tpu.memory_space<hbm>>, %arg4: memref<64x4096xf32, #tpu.memory_space<hbm>>, %arg5: memref<4096xi32, #tpu.memory_space<vmem>>, %arg6: memref<100000xf32, #tpu.memory_space<vmem>>, %arg7: memref<2x4096xf32, #tpu.memory_space<vmem>>, %arg8: memref<!tpu.dma_semaphore, #tpu.memory_space<semaphore_mem>>, %arg9: memref<!tpu.dma_semaphore, #tpu.memory_space<semaphore_mem>>, %arg10: memref<!tpu.dma_semaphore, #tpu.memory_space<semaphore_mem>>) attributes {dimension_semantics = [#tpu.dimension_semantics<core_parallel>, #tpu.dimension_semantics<subcore_parallel>], iteration_bounds = array<i64: 2, 16>, scalar_prefetch = 0 : i64, scratch_operands = 6 : i64, tpu.core_type = #tpu.core_type<sc_vector_subcore>, window_params = [{transform_indices = #map}, {transform_indices = #map1}, {transform_indices = #map}]} {
    %mul3A = arith.constant 2 : i32
    %mul3A_0 = arith.muli %arg1, %mul3A : i32
    %add3A = arith.addi %mul3A_0, %arg0 : i32
    tpu.enqueue_dma source(%arg3 : memref<4096xi32, #tpu.memory_space<hbm>>) target(%arg5 : memref<4096xi32, #tpu.memory_space<vmem>>) target_semaphore(%arg8 : memref<!tpu.dma_semaphore, #tpu.memory_space<semaphore_mem>>)
    %mul3A_1 = arith.constant 2 : i32
    %mul3A_2 = arith.muli %add3A, %mul3A_1 : i32
    %dma_start3A = arith.constant 0 : i32
    %dma_start3A_3 = tpu.memref_slice %arg2[%mul3A_2, %dma_start3A] : memref<64x100000xf32, #tpu.memory_space<hbm>> -> memref<1x100000xf32, #tpu.memory_space<hbm>>
    %dma_start3A_4 = tpu.memref_squeeze %dma_start3A_3 : memref<1x100000xf32, #tpu.memory_space<hbm>> -> memref<100000xf32, #tpu.memory_space<hbm>>
    %dma_start3A_5 = arith.constant 0 : i32
    %dma_start3A_6 = tpu.memref_slice %arg2[%mul3A_2, %dma_start3A_5] : memref<64x100000xf32, #tpu.memory_space<hbm>> -> memref<1x100000xf32, #tpu.memory_space<hbm>>
    %dma_start3A_7 = tpu.memref_squeeze %dma_start3A_6 : memref<1x100000xf32, #tpu.memory_space<hbm>> -> memref<100000xf32, #tpu.memory_space<hbm>>
    tpu.enqueue_dma source(%dma_start3A_7 : memref<100000xf32, #tpu.memory_space<hbm>>) target(%arg6 : memref<100000xf32, #tpu.memory_space<vmem>>) target_semaphore(%arg9 : memref<!tpu.dma_semaphore, #tpu.memory_space<semaphore_mem>>)
    tpu.wait_dma2 semaphore(%arg8 : memref<!tpu.dma_semaphore, #tpu.memory_space<semaphore_mem>>) src(%arg3 : memref<4096xi32, #tpu.memory_space<hbm>>) dst(%arg5 : memref<4096xi32, #tpu.memory_space<vmem>>)
    %mul3A_8 = arith.constant 2 : i32
    %mul3A_9 = arith.muli %add3A, %mul3A_8 : i32
    %add3A_10 = arith.constant 0 : i32
    %add3A_11 = arith.addi %mul3A_9, %add3A_10 : i32
    %dma_wait3A = arith.constant 0 : i32
    %dma_wait3A_12 = tpu.memref_slice %arg2[%add3A_11, %dma_wait3A] : memref<64x100000xf32, #tpu.memory_space<hbm>> -> memref<1x100000xf32, #tpu.memory_space<hbm>>
    %dma_wait3A_13 = tpu.memref_squeeze %dma_wait3A_12 : memref<1x100000xf32, #tpu.memory_space<hbm>> -> memref<100000xf32, #tpu.memory_space<hbm>>
    %dma_wait3A_14 = arith.constant 0 : i32
    %dma_wait3A_15 = tpu.memref_slice %arg2[%add3A_11, %dma_wait3A_14] : memref<64x100000xf32, #tpu.memory_space<hbm>> -> memref<1x100000xf32, #tpu.memory_space<hbm>>
    %dma_wait3A_16 = tpu.memref_squeeze %dma_wait3A_15 : memref<1x100000xf32, #tpu.memory_space<hbm>> -> memref<100000xf32, #tpu.memory_space<hbm>>
    tpu.wait_dma2 semaphore(%arg9 : memref<!tpu.dma_semaphore, #tpu.memory_space<semaphore_mem>>) src(%dma_wait3A_16 : memref<100000xf32, #tpu.memory_space<hbm>>) dst(%arg6 : memref<100000xf32, #tpu.memory_space<vmem>>)
    %scan3A = arith.constant 0 : i32
    %scan3A_17 = arith.constant 0 : i32
    %scan3A_18 = arith.constant 256 : i32
    %scan3A_19 = arith.addi %scan3A_17, %scan3A_18 : i32
    %scan3A_20 = arith.constant 8 : i32
    scf.for %scan3A_96 = %scan3A_17 to %scan3A_19 step %scan3A_20  : i32 {
      %mul3A_97 = arith.constant 16 : i32
      %mul3A_98 = arith.muli %scan3A_96, %mul3A_97 : i32
      %get3A = arith.index_cast %mul3A_98 : i32 to index
      %get3A_99 = tpu.vector_load %arg5[%get3A] {strides = array<i32>} : memref<4096xi32, #tpu.memory_space<vmem>>, vector<16xi32>,
      %gather3A = tpu.vector_load_idx %arg6[%get3A_99] : memref<100000xf32, #tpu.memory_space<vmem>>[vector<16xi32>], vector<16xf32>,
      %mul3A_100 = arith.constant 16 : i32
      %mul3A_101 = arith.muli %scan3A_96, %mul3A_100 : i32
      %swap3A = arith.constant 0 : i32
      %swap3A_102 = arith.index_cast %swap3A : i32 to index
      %swap3A_103 = arith.index_cast %mul3A_101 : i32 to index
      %swap3A_104 = tpu.vector_load %arg7[%swap3A_102, %swap3A_103] {strides = array<i32>} : memref<2x4096xf32, #tpu.memory_space<vmem>>, vector<16xf32>,
      tpu.vector_store %arg7[%swap3A_102, %swap3A_103], %gather3A {strides = array<i32>} : memref<2x4096xf32, #tpu.memory_space<vmem>>, vector<16xf32>,
      %scan3A_105 = arith.constant 1 : i32
      %scan3A_106 = arith.addi %scan3A_96, %scan3A_105 : i32
      %mul3A_107 = arith.constant 16 : i32
      %mul3A_108 = arith.muli %scan3A_106, %mul3A_107 : i32
      %get3A_109 = arith.index_cast %mul3A_108 : i32 to index
      %get3A_110 = tpu.vector_load %arg5[%get3A_109] {strides = array<i32>} : memref<4096xi32, #tpu.memory_space<vmem>>, vector<16xi32>,
      %gather3A_111 = tpu.vector_load_idx %arg6[%get3A_110] : memref<100000xf32, #tpu.memory_space<vmem>>[vector<16xi32>], vector<16xf32>,
      %mul3A_112 = arith.constant 16 : i32
      %mul3A_113 = arith.muli %scan3A_106, %mul3A_112 : i32
      %swap3A_114 = arith.constant 0 : i32
      %swap3A_115 = arith.index_cast %swap3A_114 : i32 to index
      %swap3A_116 = arith.index_cast %mul3A_113 : i32 to index
      %swap3A_117 = tpu.vector_load %arg7[%swap3A_115, %swap3A_116] {strides = array<i32>} : memref<2x4096xf32, #tpu.memory_space<vmem>>, vector<16xf32>,
      tpu.vector_store %arg7[%swap3A_115, %swap3A_116], %gather3A_111 {strides = array<i32>} : memref<2x4096xf32, #tpu.memory_space<vmem>>, vector<16xf32>,
      %scan3A_118 = arith.constant 2 : i32
      %scan3A_119 = arith.addi %scan3A_96, %scan3A_118 : i32
      %mul3A_120 = arith.constant 16 : i32
      %mul3A_121 = arith.muli %scan3A_119, %mul3A_120 : i32
      %get3A_122 = arith.index_cast %mul3A_121 : i32 to index
      %get3A_123 = tpu.vector_load %arg5[%get3A_122] {strides = array<i32>} : memref<4096xi32, #tpu.memory_space<vmem>>, vector<16xi32>,
      %gather3A_124 = tpu.vector_load_idx %arg6[%get3A_123] : memref<100000xf32, #tpu.memory_space<vmem>>[vector<16xi32>], vector<16xf32>,
      %mul3A_125 = arith.constant 16 : i32
      %mul3A_126 = arith.muli %scan3A_119, %mul3A_125 : i32
      %swap3A_127 = arith.constant 0 : i32
      %swap3A_128 = arith.index_cast %swap3A_127 : i32 to index
      %swap3A_129 = arith.index_cast %mul3A_126 : i32 to index
      %swap3A_130 = tpu.vector_load %arg7[%swap3A_128, %swap3A_129] {strides = array<i32>} : memref<2x4096xf32, #tpu.memory_space<vmem>>, vector<16xf32>,
      tpu.vector_store %arg7[%swap3A_128, %swap3A_129], %gather3A_124 {strides = array<i32>} : memref<2x4096xf32, #tpu.memory_space<vmem>>, vector<16xf32>,
      %scan3A_131 = arith.constant 3 : i32
      %scan3A_132 = arith.addi %scan3A_96, %scan3A_131 : i32
      %mul3A_133 = arith.constant 16 : i32
      %mul3A_134 = arith.muli %scan3A_132, %mul3A_133 : i32
      %get3A_135 = arith.index_cast %mul3A_134 : i32 to index
      %get3A_136 = tpu.vector_load %arg5[%get3A_135] {strides = array<i32>} : memref<4096xi32, #tpu.memory_space<vmem>>, vector<16xi32>,
      %gather3A_137 = tpu.vector_load_idx %arg6[%get3A_136] : memref<100000xf32, #tpu.memory_space<vmem>>[vector<16xi32>], vector<16xf32>,
      %mul3A_138 = arith.constant 16 : i32
      %mul3A_139 = arith.muli %scan3A_132, %mul3A_138 : i32
      %swap3A_140 = arith.constant 0 : i32
      %swap3A_141 = arith.index_cast %swap3A_140 : i32 to index
      %swap3A_142 = arith.index_cast %mul3A_139 : i32 to index
      %swap3A_143 = tpu.vector_load %arg7[%swap3A_141, %swap3A_142] {strides = array<i32>} : memref<2x4096xf32, #tpu.memory_space<vmem>>, vector<16xf32>,
      tpu.vector_store %arg7[%swap3A_141, %swap3A_142], %gather3A_137 {strides = array<i32>} : memref<2x4096xf32, #tpu.memory_space<vmem>>, vector<16xf32>,
      %scan3A_144 = arith.constant 4 : i32
      %scan3A_145 = arith.addi %scan3A_96, %scan3A_144 : i32
      %mul3A_146 = arith.constant 16 : i32
      %mul3A_147 = arith.muli %scan3A_145, %mul3A_146 : i32
      %get3A_148 = arith.index_cast %mul3A_147 : i32 to index
      %get3A_149 = tpu.vector_load %arg5[%get3A_148] {strides = array<i32>} : memref<4096xi32, #tpu.memory_space<vmem>>, vector<16xi32>,
      %gather3A_150 = tpu.vector_load_idx %arg6[%get3A_149] : memref<100000xf32, #tpu.memory_space<vmem>>[vector<16xi32>], vector<16xf32>,
      %mul3A_151 = arith.constant 16 : i32
      %mul3A_152 = arith.muli %scan3A_145, %mul3A_151 : i32
      %swap3A_153 = arith.constant 0 : i32
      %swap3A_154 = arith.index_cast %swap3A_153 : i32 to index
      %swap3A_155 = arith.index_cast %mul3A_152 : i32 to index
      %swap3A_156 = tpu.vector_load %arg7[%swap3A_154, %swap3A_155] {strides = array<i32>} : memref<2x4096xf32, #tpu.memory_space<vmem>>, vector<16xf32>,
      tpu.vector_store %arg7[%swap3A_154, %swap3A_155], %gather3A_150 {strides = array<i32>} : memref<2x4096xf32, #tpu.memory_space<vmem>>, vector<16xf32>,
      %scan3A_157 = arith.constant 5 : i32
      %scan3A_158 = arith.addi %scan3A_96, %scan3A_157 : i32
      %mul3A_159 = arith.constant 16 : i32
      %mul3A_160 = arith.muli %scan3A_158, %mul3A_159 : i32
      %get3A_161 = arith.index_cast %mul3A_160 : i32 to index
      %get3A_162 = tpu.vector_load %arg5[%get3A_161] {strides = array<i32>} : memref<4096xi32, #tpu.memory_space<vmem>>, vector<16xi32>,
      %gather3A_163 = tpu.vector_load_idx %arg6[%get3A_162] : memref<100000xf32, #tpu.memory_space<vmem>>[vector<16xi32>], vector<16xf32>,
      %mul3A_164 = arith.constant 16 : i32
      %mul3A_165 = arith.muli %scan3A_158, %mul3A_164 : i32
      %swap3A_166 = arith.constant 0 : i32
      %swap3A_167 = arith.index_cast %swap3A_166 : i32 to index
      %swap3A_168 = arith.index_cast %mul3A_165 : i32 to index
      %swap3A_169 = tpu.vector_load %arg7[%swap3A_167, %swap3A_168] {strides = array<i32>} : memref<2x4096xf32, #tpu.memory_space<vmem>>, vector<16xf32>,
      tpu.vector_store %arg7[%swap3A_167, %swap3A_168], %gather3A_163 {strides = array<i32>} : memref<2x4096xf32, #tpu.memory_space<vmem>>, vector<16xf32>,
      %scan3A_170 = arith.constant 6 : i32
      %scan3A_171 = arith.addi %scan3A_96, %scan3A_170 : i32
      %mul3A_172 = arith.constant 16 : i32
      %mul3A_173 = arith.muli %scan3A_171, %mul3A_172 : i32
      %get3A_174 = arith.index_cast %mul3A_173 : i32 to index
      %get3A_175 = tpu.vector_load %arg5[%get3A_174] {strides = array<i32>} : memref<4096xi32, #tpu.memory_space<vmem>>, vector<16xi32>,
      %gather3A_176 = tpu.vector_load_idx %arg6[%get3A_175] : memref<100000xf32, #tpu.memory_space<vmem>>[vector<16xi32>], vector<16xf32>,
      %mul3A_177 = arith.constant 16 : i32
      %mul3A_178 = arith.muli %scan3A_171, %mul3A_177 : i32
      %swap3A_179 = arith.constant 0 : i32
      %swap3A_180 = arith.index_cast %swap3A_179 : i32 to index
      %swap3A_181 = arith.index_cast %mul3A_178 : i32 to index
      %swap3A_182 = tpu.vector_load %arg7[%swap3A_180, %swap3A_181] {strides = array<i32>} : memref<2x4096xf32, #tpu.memory_space<vmem>>, vector<16xf32>,
      tpu.vector_store %arg7[%swap3A_180, %swap3A_181], %gather3A_176 {strides = array<i32>} : memref<2x4096xf32, #tpu.memory_space<vmem>>, vector<16xf32>,
      %scan3A_183 = arith.constant 7 : i32
      %scan3A_184 = arith.addi %scan3A_96, %scan3A_183 : i32
      %mul3A_185 = arith.constant 16 : i32
      %mul3A_186 = arith.muli %scan3A_184, %mul3A_185 : i32
      %get3A_187 = arith.index_cast %mul3A_186 : i32 to index
      %get3A_188 = tpu.vector_load %arg5[%get3A_187] {strides = array<i32>} : memref<4096xi32, #tpu.memory_space<vmem>>, vector<16xi32>,
      %gather3A_189 = tpu.vector_load_idx %arg6[%get3A_188] : memref<100000xf32, #tpu.memory_space<vmem>>[vector<16xi32>], vector<16xf32>,
      %mul3A_190 = arith.constant 16 : i32
      %mul3A_191 = arith.muli %scan3A_184, %mul3A_190 : i32
      %swap3A_192 = arith.constant 0 : i32
      %swap3A_193 = arith.index_cast %swap3A_192 : i32 to index
      %swap3A_194 = arith.index_cast %mul3A_191 : i32 to index
      %swap3A_195 = tpu.vector_load %arg7[%swap3A_193, %swap3A_194] {strides = array<i32>} : memref<2x4096xf32, #tpu.memory_space<vmem>>, vector<16xf32>,
      tpu.vector_store %arg7[%swap3A_193, %swap3A_194], %gather3A_189 {strides = array<i32>} : memref<2x4096xf32, #tpu.memory_space<vmem>>, vector<16xf32>,
    }
    %scan3A_21 = arith.constant 256 : i32
    %dma_start3A_22 = arith.constant 0 : i32
    %dma_start3A_23 = arith.constant 0 : i32
    %dma_start3A_24 = tpu.memref_slice %arg7[%dma_start3A_22, %dma_start3A_23] : memref<2x4096xf32, #tpu.memory_space<vmem>> -> memref<1x4096xf32, #tpu.memory_space<vmem>>
    %dma_start3A_25 = tpu.memref_squeeze %dma_start3A_24 : memref<1x4096xf32, #tpu.memory_space<vmem>> -> memref<4096xf32, #tpu.memory_space<vmem>>
    %dma_start3A_26 = arith.constant 0 : i32
    %dma_start3A_27 = tpu.memref_slice %arg4[%add3A_11, %dma_start3A_26] : memref<64x4096xf32, #tpu.memory_space<hbm>> -> memref<1x4096xf32, #tpu.memory_space<hbm>>
    %dma_start3A_28 = tpu.memref_squeeze %dma_start3A_27 : memref<1x4096xf32, #tpu.memory_space<hbm>> -> memref<4096xf32, #tpu.memory_space<hbm>>
    %dma_start3A_29 = arith.constant 0 : i32
    %dma_start3A_30 = tpu.memref_slice %arg4[%add3A_11, %dma_start3A_29] : memref<64x4096xf32, #tpu.memory_space<hbm>> -> memref<1x4096xf32, #tpu.memory_space<hbm>>
    %dma_start3A_31 = tpu.memref_squeeze %dma_start3A_30 : memref<1x4096xf32, #tpu.memory_space<hbm>> -> memref<4096xf32, #tpu.memory_space<hbm>>
    %dma_start3A_32 = arith.constant 0 : i32
    %dma_start3A_33 = tpu.memref_slice %arg7[%dma_start3A_22, %dma_start3A_32] : memref<2x4096xf32, #tpu.memory_space<vmem>> -> memref<1x4096xf32, #tpu.memory_space<vmem>>
    %dma_start3A_34 = tpu.memref_squeeze %dma_start3A_33 : memref<1x4096xf32, #tpu.memory_space<vmem>> -> memref<4096xf32, #tpu.memory_space<vmem>>
    tpu.enqueue_dma source(%dma_start3A_34 : memref<4096xf32, #tpu.memory_space<vmem>>) target(%dma_start3A_31 : memref<4096xf32, #tpu.memory_space<hbm>>) target_semaphore(%arg10 : memref<!tpu.dma_semaphore, #tpu.memory_space<semaphore_mem>>)
    %mul3A_35 = arith.constant 2 : i32
    %mul3A_36 = arith.muli %add3A, %mul3A_35 : i32
    %add3A_37 = arith.constant 1 : i32
    %add3A_38 = arith.addi %mul3A_36, %add3A_37 : i32
    %dma_start3A_39 = arith.constant 0 : i32
    %dma_start3A_40 = tpu.memref_slice %arg2[%add3A_38, %dma_start3A_39] : memref<64x100000xf32, #tpu.memory_space<hbm>> -> memref<1x100000xf32, #tpu.memory_space<hbm>>
    %dma_start3A_41 = tpu.memref_squeeze %dma_start3A_40 : memref<1x100000xf32, #tpu.memory_space<hbm>> -> memref<100000xf32, #tpu.memory_space<hbm>>
    %dma_start3A_42 = arith.constant 0 : i32
    %dma_start3A_43 = tpu.memref_slice %arg2[%add3A_38, %dma_start3A_42] : memref<64x100000xf32, #tpu.memory_space<hbm>> -> memref<1x100000xf32, #tpu.memory_space<hbm>>
    %dma_start3A_44 = tpu.memref_squeeze %dma_start3A_43 : memref<1x100000xf32, #tpu.memory_space<hbm>> -> memref<100000xf32, #tpu.memory_space<hbm>>
    tpu.enqueue_dma source(%dma_start3A_44 : memref<100000xf32, #tpu.memory_space<hbm>>) target(%arg6 : memref<100000xf32, #tpu.memory_space<vmem>>) target_semaphore(%arg9 : memref<!tpu.dma_semaphore, #tpu.memory_space<semaphore_mem>>)
    %dma_wait3A_45 = arith.constant 0 : i32
    %dma_wait3A_46 = tpu.memref_slice %arg2[%add3A_38, %dma_wait3A_45] : memref<64x100000xf32, #tpu.memory_space<hbm>> -> memref<1x100000xf32, #tpu.memory_space<hbm>>
    %dma_wait3A_47 = tpu.memref_squeeze %dma_wait3A_46 : memref<1x100000xf32, #tpu.memory_space<hbm>> -> memref<100000xf32, #tpu.memory_space<hbm>>
    %dma_wait3A_48 = arith.constant 0 : i32
    %dma_wait3A_49 = tpu.memref_slice %arg2[%add3A_38, %dma_wait3A_48] : memref<64x100000xf32, #tpu.memory_space<hbm>> -> memref<1x100000xf32, #tpu.memory_space<hbm>>
    %dma_wait3A_50 = tpu.memref_squeeze %dma_wait3A_49 : memref<1x100000xf32, #tpu.memory_space<hbm>> -> memref<100000xf32, #tpu.memory_space<hbm>>
    tpu.wait_dma2 semaphore(%arg9 : memref<!tpu.dma_semaphore, #tpu.memory_space<semaphore_mem>>) src(%dma_wait3A_50 : memref<100000xf32, #tpu.memory_space<hbm>>) dst(%arg6 : memref<100000xf32, #tpu.memory_space<vmem>>)
    %scan3A_51 = arith.constant 0 : i32
    %scan3A_52 = arith.constant 0 : i32
    %scan3A_53 = arith.constant 256 : i32
    %scan3A_54 = arith.addi %scan3A_52, %scan3A_53 : i32
    %scan3A_55 = arith.constant 8 : i32
    scf.for %scan3A_96 = %scan3A_52 to %scan3A_54 step %scan3A_55  : i32 {
      %mul3A_97 = arith.constant 16 : i32
      %mul3A_98 = arith.muli %scan3A_96, %mul3A_97 : i32
      %get3A = arith.index_cast %mul3A_98 : i32 to index
      %get3A_99 = tpu.vector_load %arg5[%get3A] {strides = array<i32>} : memref<4096xi32, #tpu.memory_space<vmem>>, vector<16xi32>,
      %gather3A = tpu.vector_load_idx %arg6[%get3A_99] : memref<100000xf32, #tpu.memory_space<vmem>>[vector<16xi32>], vector<16xf32>,
      %mul3A_100 = arith.constant 16 : i32
      %mul3A_101 = arith.muli %scan3A_96, %mul3A_100 : i32
      %swap3A = arith.constant 1 : i32
      %swap3A_102 = arith.index_cast %swap3A : i32 to index
      %swap3A_103 = arith.index_cast %mul3A_101 : i32 to index
      %swap3A_104 = tpu.vector_load %arg7[%swap3A_102, %swap3A_103] {strides = array<i32>} : memref<2x4096xf32, #tpu.memory_space<vmem>>, vector<16xf32>,
      tpu.vector_store %arg7[%swap3A_102, %swap3A_103], %gather3A {strides = array<i32>} : memref<2x4096xf32, #tpu.memory_space<vmem>>, vector<16xf32>,
      %scan3A_105 = arith.constant 1 : i32
      %scan3A_106 = arith.addi %scan3A_96, %scan3A_105 : i32
      %mul3A_107 = arith.constant 16 : i32
      %mul3A_108 = arith.muli %scan3A_106, %mul3A_107 : i32
      %get3A_109 = arith.index_cast %mul3A_108 : i32 to index
      %get3A_110 = tpu.vector_load %arg5[%get3A_109] {strides = array<i32>} : memref<4096xi32, #tpu.memory_space<vmem>>, vector<16xi32>,
      %gather3A_111 = tpu.vector_load_idx %arg6[%get3A_110] : memref<100000xf32, #tpu.memory_space<vmem>>[vector<16xi32>], vector<16xf32>,
      %mul3A_112 = arith.constant 16 : i32
      %mul3A_113 = arith.muli %scan3A_106, %mul3A_112 : i32
      %swap3A_114 = arith.constant 1 : i32
      %swap3A_115 = arith.index_cast %swap3A_114 : i32 to index
      %swap3A_116 = arith.index_cast %mul3A_113 : i32 to index
      %swap3A_117 = tpu.vector_load %arg7[%swap3A_115, %swap3A_116] {strides = array<i32>} : memref<2x4096xf32, #tpu.memory_space<vmem>>, vector<16xf32>,
      tpu.vector_store %arg7[%swap3A_115, %swap3A_116], %gather3A_111 {strides = array<i32>} : memref<2x4096xf32, #tpu.memory_space<vmem>>, vector<16xf32>,
      %scan3A_118 = arith.constant 2 : i32
      %scan3A_119 = arith.addi %scan3A_96, %scan3A_118 : i32
      %mul3A_120 = arith.constant 16 : i32
      %mul3A_121 = arith.muli %scan3A_119, %mul3A_120 : i32
      %get3A_122 = arith.index_cast %mul3A_121 : i32 to index
      %get3A_123 = tpu.vector_load %arg5[%get3A_122] {strides = array<i32>} : memref<4096xi32, #tpu.memory_space<vmem>>, vector<16xi32>,
      %gather3A_124 = tpu.vector_load_idx %arg6[%get3A_123] : memref<100000xf32, #tpu.memory_space<vmem>>[vector<16xi32>], vector<16xf32>,
      %mul3A_125 = arith.constant 16 : i32
      %mul3A_126 = arith.muli %scan3A_119, %mul3A_125 : i32
      %swap3A_127 = arith.constant 1 : i32
      %swap3A_128 = arith.index_cast %swap3A_127 : i32 to index
      %swap3A_129 = arith.index_cast %mul3A_126 : i32 to index
      %swap3A_130 = tpu.vector_load %arg7[%swap3A_128, %swap3A_129] {strides = array<i32>} : memref<2x4096xf32, #tpu.memory_space<vmem>>, vector<16xf32>,
      tpu.vector_store %arg7[%swap3A_128, %swap3A_129], %gather3A_124 {strides = array<i32>} : memref<2x4096xf32, #tpu.memory_space<vmem>>, vector<16xf32>,
      %scan3A_131 = arith.constant 3 : i32
      %scan3A_132 = arith.addi %scan3A_96, %scan3A_131 : i32
      %mul3A_133 = arith.constant 16 : i32
      %mul3A_134 = arith.muli %scan3A_132, %mul3A_133 : i32
      %get3A_135 = arith.index_cast %mul3A_134 : i32 to index
      %get3A_136 = tpu.vector_load %arg5[%get3A_135] {strides = array<i32>} : memref<4096xi32, #tpu.memory_space<vmem>>, vector<16xi32>,
      %gather3A_137 = tpu.vector_load_idx %arg6[%get3A_136] : memref<100000xf32, #tpu.memory_space<vmem>>[vector<16xi32>], vector<16xf32>,
      %mul3A_138 = arith.constant 16 : i32
      %mul3A_139 = arith.muli %scan3A_132, %mul3A_138 : i32
      %swap3A_140 = arith.constant 1 : i32
      %swap3A_141 = arith.index_cast %swap3A_140 : i32 to index
      %swap3A_142 = arith.index_cast %mul3A_139 : i32 to index
      %swap3A_143 = tpu.vector_load %arg7[%swap3A_141, %swap3A_142] {strides = array<i32>} : memref<2x4096xf32, #tpu.memory_space<vmem>>, vector<16xf32>,
      tpu.vector_store %arg7[%swap3A_141, %swap3A_142], %gather3A_137 {strides = array<i32>} : memref<2x4096xf32, #tpu.memory_space<vmem>>, vector<16xf32>,
      %scan3A_144 = arith.constant 4 : i32
      %scan3A_145 = arith.addi %scan3A_96, %scan3A_144 : i32
      %mul3A_146 = arith.constant 16 : i32
      %mul3A_147 = arith.muli %scan3A_145, %mul3A_146 : i32
      %get3A_148 = arith.index_cast %mul3A_147 : i32 to index
      %get3A_149 = tpu.vector_load %arg5[%get3A_148] {strides = array<i32>} : memref<4096xi32, #tpu.memory_space<vmem>>, vector<16xi32>,
      %gather3A_150 = tpu.vector_load_idx %arg6[%get3A_149] : memref<100000xf32, #tpu.memory_space<vmem>>[vector<16xi32>], vector<16xf32>,
      %mul3A_151 = arith.constant 16 : i32
      %mul3A_152 = arith.muli %scan3A_145, %mul3A_151 : i32
      %swap3A_153 = arith.constant 1 : i32
      %swap3A_154 = arith.index_cast %swap3A_153 : i32 to index
      %swap3A_155 = arith.index_cast %mul3A_152 : i32 to index
      %swap3A_156 = tpu.vector_load %arg7[%swap3A_154, %swap3A_155] {strides = array<i32>} : memref<2x4096xf32, #tpu.memory_space<vmem>>, vector<16xf32>,
      tpu.vector_store %arg7[%swap3A_154, %swap3A_155], %gather3A_150 {strides = array<i32>} : memref<2x4096xf32, #tpu.memory_space<vmem>>, vector<16xf32>,
      %scan3A_157 = arith.constant 5 : i32
      %scan3A_158 = arith.addi %scan3A_96, %scan3A_157 : i32
      %mul3A_159 = arith.constant 16 : i32
      %mul3A_160 = arith.muli %scan3A_158, %mul3A_159 : i32
      %get3A_161 = arith.index_cast %mul3A_160 : i32 to index
      %get3A_162 = tpu.vector_load %arg5[%get3A_161] {strides = array<i32>} : memref<4096xi32, #tpu.memory_space<vmem>>, vector<16xi32>,
      %gather3A_163 = tpu.vector_load_idx %arg6[%get3A_162] : memref<100000xf32, #tpu.memory_space<vmem>>[vector<16xi32>], vector<16xf32>,
      %mul3A_164 = arith.constant 16 : i32
      %mul3A_165 = arith.muli %scan3A_158, %mul3A_164 : i32
      %swap3A_166 = arith.constant 1 : i32
      %swap3A_167 = arith.index_cast %swap3A_166 : i32 to index
      %swap3A_168 = arith.index_cast %mul3A_165 : i32 to index
      %swap3A_169 = tpu.vector_load %arg7[%swap3A_167, %swap3A_168] {strides = array<i32>} : memref<2x4096xf32, #tpu.memory_space<vmem>>, vector<16xf32>,
      tpu.vector_store %arg7[%swap3A_167, %swap3A_168], %gather3A_163 {strides = array<i32>} : memref<2x4096xf32, #tpu.memory_space<vmem>>, vector<16xf32>,
      %scan3A_170 = arith.constant 6 : i32
      %scan3A_171 = arith.addi %scan3A_96, %scan3A_170 : i32
      %mul3A_172 = arith.constant 16 : i32
      %mul3A_173 = arith.muli %scan3A_171, %mul3A_172 : i32
      %get3A_174 = arith.index_cast %mul3A_173 : i32 to index
      %get3A_175 = tpu.vector_load %arg5[%get3A_174] {strides = array<i32>} : memref<4096xi32, #tpu.memory_space<vmem>>, vector<16xi32>,
      %gather3A_176 = tpu.vector_load_idx %arg6[%get3A_175] : memref<100000xf32, #tpu.memory_space<vmem>>[vector<16xi32>], vector<16xf32>,
      %mul3A_177 = arith.constant 16 : i32
      %mul3A_178 = arith.muli %scan3A_171, %mul3A_177 : i32
      %swap3A_179 = arith.constant 1 : i32
      %swap3A_180 = arith.index_cast %swap3A_179 : i32 to index
      %swap3A_181 = arith.index_cast %mul3A_178 : i32 to index
      %swap3A_182 = tpu.vector_load %arg7[%swap3A_180, %swap3A_181] {strides = array<i32>} : memref<2x4096xf32, #tpu.memory_space<vmem>>, vector<16xf32>,
      tpu.vector_store %arg7[%swap3A_180, %swap3A_181], %gather3A_176 {strides = array<i32>} : memref<2x4096xf32, #tpu.memory_space<vmem>>, vector<16xf32>,
      %scan3A_183 = arith.constant 7 : i32
      %scan3A_184 = arith.addi %scan3A_96, %scan3A_183 : i32
      %mul3A_185 = arith.constant 16 : i32
      %mul3A_186 = arith.muli %scan3A_184, %mul3A_185 : i32
      %get3A_187 = arith.index_cast %mul3A_186 : i32 to index
      %get3A_188 = tpu.vector_load %arg5[%get3A_187] {strides = array<i32>} : memref<4096xi32, #tpu.memory_space<vmem>>, vector<16xi32>,
      %gather3A_189 = tpu.vector_load_idx %arg6[%get3A_188] : memref<100000xf32, #tpu.memory_space<vmem>>[vector<16xi32>], vector<16xf32>,
      %mul3A_190 = arith.constant 16 : i32
      %mul3A_191 = arith.muli %scan3A_184, %mul3A_190 : i32
      %swap3A_192 = arith.constant 1 : i32
      %swap3A_193 = arith.index_cast %swap3A_192 : i32 to index
      %swap3A_194 = arith.index_cast %mul3A_191 : i32 to index
      %swap3A_195 = tpu.vector_load %arg7[%swap3A_193, %swap3A_194] {strides = array<i32>} : memref<2x4096xf32, #tpu.memory_space<vmem>>, vector<16xf32>,
      tpu.vector_store %arg7[%swap3A_193, %swap3A_194], %gather3A_189 {strides = array<i32>} : memref<2x4096xf32, #tpu.memory_space<vmem>>, vector<16xf32>,
    }
    %scan3A_56 = arith.constant 256 : i32
    %dma_start3A_57 = arith.constant 1 : i32
    %dma_start3A_58 = arith.constant 0 : i32
    %dma_start3A_59 = tpu.memref_slice %arg7[%dma_start3A_57, %dma_start3A_58] : memref<2x4096xf32, #tpu.memory_space<vmem>> -> memref<1x4096xf32, #tpu.memory_space<vmem>>
    %dma_start3A_60 = tpu.memref_squeeze %dma_start3A_59 : memref<1x4096xf32, #tpu.memory_space<vmem>> -> memref<4096xf32, #tpu.memory_space<vmem>>
    %dma_start3A_61 = arith.constant 0 : i32
    %dma_start3A_62 = tpu.memref_slice %arg4[%add3A_38, %dma_start3A_61] : memref<64x4096xf32, #tpu.memory_space<hbm>> -> memref<1x4096xf32, #tpu.memory_space<hbm>>
    %dma_start3A_63 = tpu.memref_squeeze %dma_start3A_62 : memref<1x4096xf32, #tpu.memory_space<hbm>> -> memref<4096xf32, #tpu.memory_space<hbm>>
    %dma_start3A_64 = arith.constant 0 : i32
    %dma_start3A_65 = tpu.memref_slice %arg4[%add3A_38, %dma_start3A_64] : memref<64x4096xf32, #tpu.memory_space<hbm>> -> memref<1x4096xf32, #tpu.memory_space<hbm>>
    %dma_start3A_66 = tpu.memref_squeeze %dma_start3A_65 : memref<1x4096xf32, #tpu.memory_space<hbm>> -> memref<4096xf32, #tpu.memory_space<hbm>>
    %dma_start3A_67 = arith.constant 0 : i32
    %dma_start3A_68 = tpu.memref_slice %arg7[%dma_start3A_57, %dma_start3A_67] : memref<2x4096xf32, #tpu.memory_space<vmem>> -> memref<1x4096xf32, #tpu.memory_space<vmem>>
    %dma_start3A_69 = tpu.memref_squeeze %dma_start3A_68 : memref<1x4096xf32, #tpu.memory_space<vmem>> -> memref<4096xf32, #tpu.memory_space<vmem>>
    tpu.enqueue_dma source(%dma_start3A_69 : memref<4096xf32, #tpu.memory_space<vmem>>) target(%dma_start3A_66 : memref<4096xf32, #tpu.memory_space<hbm>>) target_semaphore(%arg10 : memref<!tpu.dma_semaphore, #tpu.memory_space<semaphore_mem>>)
    %dma_wait3A_70 = arith.constant 0 : i32
    %dma_wait3A_71 = arith.constant 0 : i32
    %dma_wait3A_72 = tpu.memref_slice %arg7[%dma_wait3A_70, %dma_wait3A_71] : memref<2x4096xf32, #tpu.memory_space<vmem>> -> memref<1x4096xf32, #tpu.memory_space<vmem>>
    %dma_wait3A_73 = tpu.memref_squeeze %dma_wait3A_72 : memref<1x4096xf32, #tpu.memory_space<vmem>> -> memref<4096xf32, #tpu.memory_space<vmem>>
    %dma_wait3A_74 = arith.constant 0 : i32
    %dma_wait3A_75 = tpu.memref_slice %arg4[%add3A_11, %dma_wait3A_74] : memref<64x4096xf32, #tpu.memory_space<hbm>> -> memref<1x4096xf32, #tpu.memory_space<hbm>>
    %dma_wait3A_76 = tpu.memref_squeeze %dma_wait3A_75 : memref<1x4096xf32, #tpu.memory_space<hbm>> -> memref<4096xf32, #tpu.memory_space<hbm>>
    %dma_wait3A_77 = arith.constant 0 : i32
    %dma_wait3A_78 = tpu.memref_slice %arg4[%add3A_11, %dma_wait3A_77] : memref<64x4096xf32, #tpu.memory_space<hbm>> -> memref<1x4096xf32, #tpu.memory_space<hbm>>
    %dma_wait3A_79 = tpu.memref_squeeze %dma_wait3A_78 : memref<1x4096xf32, #tpu.memory_space<hbm>> -> memref<4096xf32, #tpu.memory_space<hbm>>
    %dma_wait3A_80 = arith.constant 0 : i32
    %dma_wait3A_81 = tpu.memref_slice %arg7[%dma_wait3A_70, %dma_wait3A_80] : memref<2x4096xf32, #tpu.memory_space<vmem>> -> memref<1x4096xf32, #tpu.memory_space<vmem>>
    %dma_wait3A_82 = tpu.memref_squeeze %dma_wait3A_81 : memref<1x4096xf32, #tpu.memory_space<vmem>> -> memref<4096xf32, #tpu.memory_space<vmem>>
    tpu.wait_dma2 semaphore(%arg10 : memref<!tpu.dma_semaphore, #tpu.memory_space<semaphore_mem>>) src(%dma_wait3A_82 : memref<4096xf32, #tpu.memory_space<vmem>>) dst(%dma_wait3A_79 : memref<4096xf32, #tpu.memory_space<hbm>>)
    %dma_wait3A_83 = arith.constant 1 : i32
    %dma_wait3A_84 = arith.constant 0 : i32
    %dma_wait3A_85 = tpu.memref_slice %arg7[%dma_wait3A_83, %dma_wait3A_84] : memref<2x4096xf32, #tpu.memory_space<vmem>> -> memref<1x4096xf32, #tpu.memory_space<vmem>>
    %dma_wait3A_86 = tpu.memref_squeeze %dma_wait3A_85 : memref<1x4096xf32, #tpu.memory_space<vmem>> -> memref<4096xf32, #tpu.memory_space<vmem>>
    %dma_wait3A_87 = arith.constant 0 : i32
    %dma_wait3A_88 = tpu.memref_slice %arg4[%add3A_38, %dma_wait3A_87] : memref<64x4096xf32, #tpu.memory_space<hbm>> -> memref<1x4096xf32, #tpu.memory_space<hbm>>
    %dma_wait3A_89 = tpu.memref_squeeze %dma_wait3A_88 : memref<1x4096xf32, #tpu.memory_space<hbm>> -> memref<4096xf32, #tpu.memory_space<hbm>>
    %dma_wait3A_90 = arith.constant 0 : i32
    %dma_wait3A_91 = tpu.memref_slice %arg4[%add3A_38, %dma_wait3A_90] : memref<64x4096xf32, #tpu.memory_space<hbm>> -> memref<1x4096xf32, #tpu.memory_space<hbm>>
    %dma_wait3A_92 = tpu.memref_squeeze %dma_wait3A_91 : memref<1x4096xf32, #tpu.memory_space<hbm>> -> memref<4096xf32, #tpu.memory_space<hbm>>
    %dma_wait3A_93 = arith.constant 0 : i32
    %dma_wait3A_94 = tpu.memref_slice %arg7[%dma_wait3A_83, %dma_wait3A_93] : memref<2x4096xf32, #tpu.memory_space<vmem>> -> memref<1x4096xf32, #tpu.memory_space<vmem>>
    %dma_wait3A_95 = tpu.memref_squeeze %dma_wait3A_94 : memref<1x4096xf32, #tpu.memory_space<vmem>> -> memref<4096xf32, #tpu.memory_space<vmem>>
    tpu.wait_dma2 semaphore(%arg10 : memref<!tpu.dma_semaphore, #tpu.memory_space<semaphore_mem>>) src(%dma_wait3A_95 : memref<4096xf32, #tpu.memory_space<vmem>>) dst(%dma_wait3A_92 : memref<4096xf32, #tpu.memory_space<hbm>>)
    return
  }
}

</mosaic_0001>

<sc_bundles>
// kernel: kernel.3.cloned.1.call-start
scs
__scs_entry_jumppad:
0x0: {  	(pc) =	sbr.rel $0x88, $3  }
0x1: {  	(tag) =	ssettag $0x0;
	lr =	simm.s32 $0x1  }
0x2: {  	[smem:$0x3F9F] =	sst lr;
	_ =	strace $0xD0000000  }
0x3: {  	_ = 	snop  }
0x4: {  	_ = 	snop  }
0x5: {  	_ = 	snop  }
0x6: {  	_ = 	snop  }
0x7: {  	_ = 	snop  }
__scs_overlays_trampoline_lowered:
0x8: {  	[smem:$0x3FAE] =	sst s0  }
0x9: {  	[smem:$0x3FAF] =	sst s1  }
0xa: {  	[smem:$0x3FB0] =	sst s2  }
0xb: {  	[smem:$0x3FB1] =	sst s3  }
0xc: {  	[smem:$0x3FB2] =	sst s4  }
0xd: {  	[smem:$0x3FB3] =	sst s5  }
0xe: {  	[smem:$0x3FB4] =	sst s6  }
0xf: {  	[smem:$0x3FB5] =	sst s7  }
0x10: {  	[smem:$0x3FB6] =	sst s8  }
0x11: {  	[smem:$0x3FB7] =	sst s9;
	s0 =	simm.s32 @!p0 $0x0  }
0x12: {  	s1 =	sld [smem:$0x3F9D];
	s0 =	simm.s32 @p0 $0x1  }
0x13: {  	[smem:$0x3FB8] =	sst s0;
	s0 =	simm.s32 @!p1 $0x0  }
0x14: {  	s2 =	sld [smem:$0x3F9C];
	s0 =	simm.s32 @p1 $0x1  }
0x15: {  	[smem:$0x3FB9] =	sst s0;
	s0 =	simm.s32 @!p2 $0x0  }
0x16: {  	s3 =	sld [smem:$0x3FDB];
	s0 =	simm.s32 @p2 $0x1  }
0x17: {  	s4 =	simm.s32 $0x1BF5;
	[smem:$0x3FBB] =	sst s0  }
0x18: {  	s0 =	sld [smem:$0x3F9E];
	_ =	swait.ge [sflag:s4], $0x0  }
0x19: {  	s7 =	sld [smem:$0x3F9F]  }
0x1a: {  	s8 =	sadd.s32 $0xFFFFE003, lr  }
0x1b: {  	s9 =	sadd.s32 $0xFFFFFEF7, lr;
	s5 =	simm.s32 $0xFFFFFFFF;
	p2 =	slt.u32 s8, $0xFFFFF086  }
0x1c: {  	p1 =	slt.u32 s9, $0xF7A;
	s5 =	simm.s32 @!p2 $0x0  }
0x1d: {  	s5 =	simm.s32 @p1 $0x1;
	p0 =	seq.s32 s7, s2  }
0x1e: {  	s7 =	smul.u32 @!p0 $0xF7A, s2;
	p2 =	seq.s32 @!p0 s5, $0x0  }
0x1f: {  	s9 =	smul.u32 $0xF7A, s1;
	s8 =	simm.s32 @!p0 $0x1BF5;
	p2 =	por !p2, p0  }
0x20: {  	[sflag:s8] =	ssyncset.s32 @!p0 $0xFFFFF086;
	s6 =	sadd.s32 @!p0 s3, s7;
	s7 =	simm.s32 @!p0 $0x108  }
0x21: {  	s3 =	sadd.s32 s3, s9;
	s6 =	sadd.s32 @!p0 $0x88, s6;
	s7 =	simm.s32 @p2 $0x1082  }
0x22: {  	[simem:s7], [sflag:s8] =	dma.local @!p0 [hbm:s6], $0xF7A  }
0x23: {  	s9 =	sor.u32 $0xD0000000, s2;
	s6 =	simm.s32 $0x108;
	_ =	swait.ge @!p0 [sflag:s8], $0x0  }
0x24: {  	s3 =	sadd.s32 $0x88, s3;
	s6 =	simm.s32 @!p1 $0x1082;
	[sflag:s4] =	ssyncset.s32 $0xFFFFF086  }
0x25: {  	[simem:s6], [sflag:s4] =	dma.local [hbm:s3], $0xF7A  }
0x26: {  	[smem:$0x3F9F] =	sst s1;
	(tag) =	ssettag s2;
	_ =	strace s9  }
0x27: {  	s1 =	sld [smem:$0x3FAF]  }
0x28: {  	s2 =	sld [smem:$0x3FB0]  }
0x29: {  	s4 =	sld [smem:$0x3FB2]  }
0x2a: {  	p0 =	seq.s32 s5, $0x0;
	s5 =	sld [smem:$0x3FB3]  }
0x2b: {  	s6 =	sld [smem:$0x3FB4]  }
0x2c: {  	s7 =	sld [smem:$0x3FB5]  }
0x2d: {  	s3 =	simm.s32 $0x108;
	s8 =	sld [smem:$0x3FB6]  }
0x2e: {  	s3 =	simm.s32 @!p0 $0x1082;
	s9 =	sld [smem:$0x3FB7]  }
0x2f: {  	lr =	sadd.s32 s0, s3;
	s0 =	sld [smem:$0x3FAE]  }
0x30: {  	s3 =	sld [smem:$0x3FB1]  }
0x31: {  	[smem:$0x3FBA] =	sst s10  }
0x32: {  	s10 =	sld [smem:$0x3FB8];
	_ =	sdelay $0x3  }
0x33: {  	p0 =	seq.s32 s10, $0x1;
	s10 =	sld [smem:$0x3FBA];
	_ =	sdelay $0x3  }
0x34: {  	[smem:$0x3FBA] =	sst s10  }
0x35: {  	s10 =	sld [smem:$0x3FB9];
	_ =	sdelay $0x3  }
0x36: {  	p1 =	seq.s32 s10, $0x1;
	s10 =	sld [smem:$0x3FBA];
	_ =	sdelay $0x3  }
0x37: {  	[smem:$0x3FBA] =	sst s10  }
0x38: {  	s10 =	sld [smem:$0x3FBB]  }
0x39: {  	_ = 	snop;
	(pc) =	sbr.ind lr, $3  }
0x3a: {  	_ = 	snop  }
0x3b: {  	_ = 	snop  }
0x3c: {  	p2 =	seq.s32 s10, $0x1;
	s10 =	sld [smem:$0x3FBA]  }
0x3d: {  	_ =	shalt  }
0x3e: {  	_ =	shalt  }
0x3f: {  	_ =	shalt  }
0x40: {  	_ =	shalt  }
0x41: {  	_ =	shalt  }
0x42: {  	_ =	shalt  }
0x43: {  	_ =	shalt  }
0x44: {  	_ =	shalt  }
0x45: {  	_ =	shalt  }
0x46: {  	_ =	shalt  }
0x47: {  	_ =	shalt  }
0x48: {  	_ =	shalt  }
0x49: {  	_ =	shalt  }
0x4a: {  	_ =	shalt  }
0x4b: {  	_ =	shalt  }
0x4c: {  	_ =	shalt  }
0x4d: {  	_ =	shalt  }
0x4e: {  	_ =	shalt  }
0x4f: {  	_ =	shalt  }
0x50: {  	_ =	shalt  }
0x51: {  	_ =	shalt  }
0x52: {  	_ =	shalt  }
0x53: {  	_ =	shalt  }
0x54: {  	_ =	shalt  }
0x55: {  	_ =	shalt  }
0x56: {  	_ =	shalt  }
0x57: {  	_ =	shalt  }
0x58: {  	_ =	shalt  }
0x59: {  	_ =	shalt  }
0x5a: {  	_ =	shalt  }
0x5b: {  	_ =	shalt  }
0x5c: {  	_ =	shalt  }
0x5d: {  	_ =	shalt  }
0x5e: {  	_ =	shalt  }
0x5f: {  	_ =	shalt  }
0x60: {  	_ =	shalt  }
0x61: {  	_ =	shalt  }
0x62: {  	_ =	shalt  }
0x63: {  	_ =	shalt  }
0x64: {  	_ =	shalt  }
0x65: {  	_ =	shalt  }
0x66: {  	_ =	shalt  }
0x67: {  	_ =	shalt  }
0x68: {  	_ =	shalt  }
0x69: {  	_ =	shalt  }
0x6a: {  	_ =	shalt  }
0x6b: {  	_ =	shalt  }
0x6c: {  	_ =	shalt  }
0x6d: {  	_ =	shalt  }
0x6e: {  	_ =	shalt  }
0x6f: {  	_ =	shalt  }
0x70: {  	_ =	shalt  }
0x71: {  	_ =	shalt  }
0x72: {  	_ =	shalt  }
0x73: {  	_ =	shalt  }
0x74: {  	_ =	shalt  }
0x75: {  	_ =	shalt  }
0x76: {  	_ =	shalt  }
0x77: {  	_ =	shalt  }
0x78: {  	_ =	shalt  }
0x79: {  	_ =	shalt  }
0x7a: {  	_ =	shalt  }
0x7b: {  	_ =	shalt  }
0x7c: {  	_ =	shalt  }
0x7d: {  	_ =	shalt  }
0x7e: {  	_ =	shalt  }
0x7f: {  	_ =	shalt  }
0x80: {  	_ =	shalt  }
0x81: {  	_ =	shalt  }
0x82: {  	_ =	shalt  }
0x83: {  	_ =	shalt  }
0x84: {  	_ =	shalt  }
0x85: {  	_ =	shalt  }
0x86: {  	_ =	shalt  }
0x87: {  	_ =	shalt  }
.Lfunc_end0:
.L_simem_size_0:
called_computation_lowered:
.L_overlay_start_0:
0x88: {  	s2 =	sld [smem:$0x3FD9]  }
0x89: {  	s3 =	sld [smem:$0x3FFE];
	_ =	sdelay $0x1  }
0x8a: {  	s1 =	srdreg.scid  }
0x8b: {  	s0 =	sand.u32 $0x1, s1  }
0x8c: {  	s18 =	sshll.u32 s0, $0xA;
	s2 =	sadd.s32 s3, s2  }
0x8d: {  	s2 =	sadd.s32 s2, s18  }
0x8e: {  	[smem:$0x3FC6] =	sst s2  }
0x8f: {  	_ = 	snop  }
0x90: {  	s2 =	sld [smem:$0x3FC9]  }
0x91: {  	s19 =	sld [smem:$0x3FC8]  }
0x92: {  	s4 =	sld [smem:$0x3FD0];
	(tm) =	ssettm $0x1  }
0x93: {  	s5 =	sld [smem:$0x3FFB];
	_ =	sdelay $0x3  }
0x94: {  	_ =	strace s5  }
0x95: {  	s5 =	sld [smem:$0x3FFC];
	_ =	sdelay $0x3  }
0x96: {  	_ =	strace s5  }
0x97: {  	s5 =	sld [smem:$0x3FFD];
	_ =	sdelay $0x3  }
0x98: {  	_ =	strace s5  }
0x99: {  	_ =	strace $0x8FFFFFFF  }
0x9a: {  	s20 =	sld [smem:$0x3FDB];
	_ =	sdelay $0x1  }
0x9b: {  	s6 =	simm.s32 $_scs_section_size  }
0x9c: {  	s7 =	simm.s32 $_size__tile_overlayer_lowered;
	s8 =	simm.s32 $_tile_overlayer_lowered  }
0x9d: {  	s23 =	simm.s32 $0x1BFF;
	s22 =	sshll.u32 s8, $0x1;
	s5 =	sadd.s32 s6, s20  }
0x9e: {  	s9 =	simm.s32 $0x0;
	s21 =	sshll.u32 s7, $0x1;
	s7 =	sadd.s32 s22, s5  }
0x9f: {  	[timem:s9], [sflag:s23] =	dma.local [hbm:s7], s21  }
0xa0: {  	_ =	swait.ge [sflag:s23], s21  }
0xa1: {  	s6 =	ssub.s32 $0x0, s21;
	[sflag:s23] =	ssyncset.done $0x0  }
0xa2: {  	[sflag:s23] =	ssyncadd.s32 s6;
	_ =	sdelay $0x1  }
0xa3: {  	s24 =	simm.s32 $0x1B8B  }
0xa4: {  	_ =	swait.ge [sflag:s24], $0x1  }
0xa5: {  	[sflag:s24] =	ssyncset.done $0x0  }
0xa6: {  	s25 =	simm.s32 $0x1B8E;
	[sflag:s24] =	ssyncadd.s32 $0xFFFFFFFF  }
0xa7: {  	s26 =	simm.s32 $execute0_lowered;
	[smem:$0x3FD2] =	sst s25  }
0xa8: {  	s6 =	sshll.u32 s26, $0x1;
	_ =	strace $0x80000046;
	[dreg:$0x1] =	wrdreg $0xFFFFFFFF  }
0xa9: {  	s28 =	simm.s32 $_size_execute0_lowered;
	s5 =	sadd.s32 s5, s6;
	[dreg:$0x0] =	wrdreg $0x0  }
0xaa: {  	s6 =	sshll.u32 s28, $0x1;
	[dreg:$0x2] =	wrdreg s5  }
0xab: {  	[dreg:$0x3] =	wrdreg s6  }
0xac: {  	[dreg:$0x4] =	wrdreg $0xC0  }
0xad: {  	_ =	task [dreg:s9], $0x5FFFF  }
0xae: {  	[dreg:$0x1] =	wrdreg $0xFFFFFFFF  }
0xaf: {  	[dreg:$0x0] =	wrdreg $0x60  }
0xb0: {  	[dreg:$0x2] =	wrdreg s19  }
0xb1: {  	[dreg:$0x3] =	wrdreg s2  }
0xb2: {  	[dreg:$0x4] =	wrdreg s4  }
0xb3: {  	[dreg:$0x5] =	wrdreg $0x9  }
0xb4: {  	_ =	task.clear_ibuf [dreg:s9], $0x6FFFF;
	_ =	strace $0x90000046  }
0xb5: {  	s29 =	simm.s32 $0x9;
	_ =	strace $0x80000048  }
0xb6: {  	_ =	swait.ge [sflag:s29], $0x1  }
0xb7: {  	[sflag:s29] =	ssyncadd.s32 $0xFFFFFFFF  }
0xb8: {  	_ =	strace $0x90000048  }
0xb9: {  	_ =	sfence  }
0xba: {  	s30 =	sld [smem:$0x0];
	_ =	sdelay $0x2  }
0xbb: {  	s31 =	sshll.u32 s1, $0xD;
	s1 =	sshrl.u32 s1, $0x2  }
0xbc: {  	s3 =	sand.u32 $0x4000, s31;
	s1 =	sadd.s32 s1, s30  }
0xbd: {  	s0 =	sor.u32 s3, s0;
	s1 =	sshll.u32 s1, $0x11  }
0xbe: {  	s0 =	sor.u32 s1, s0  }
0xbf: {  	s0 =	sadd.s32 $0x8F2B, s0  }
0xc0: {  	[sflag:s0] =	ssyncadd.remote.s32 $0x1  }
0xc1: {  	_ =	sfence.sel $0xFFFF  }
0xc2: {  	[dreg:$0x0] =	wrdreg $0xFFFFFFFF;
	(pc) =	sbr.abs _section_cstart, $3  }
0xc3: {  	[dreg:$0x1] =	wrdreg $0xFFFFFFFF  }
0xc4: {  	_ =	task.clear_ibuf [dreg:s9], $0x2FFFF;
	_ =	strace $0x9FFFFFFF  }
0xc5: {  	(tm) =	ssettm $0x7FFFFFFF  }
tec
execute0_lowered:
.L_overlay_start_1:
0x0: {  	(tag) =	ssettag $0x1  }
0x1: {  	s6 =	rddreg [dreg:$0x0]  }
0x2: {  	s1 =	rddreg [dreg:$0x1]  }
0x3: {  	s7 =	rddreg [dreg:$0x2]  }
0x4: {  	s0 =	rddreg [dreg:$0x3];
	s4 =	srdreg.scid  }
0x5: {  	s3 =	simm.s32 $0x0;
	s2 =	stileid.u32;
	s12 =	simm.s32 $0x1  }
0x6: {  	s13 =	simm.s32 $0x2;
	s14 =	simm.s32 $0x3;
	s15 =	simm.s32 $0x0  }
0x7: {  	s4 =	sand.u32 $0x1, s4;
	s8 =	sshll.u32 s2, $0x9;
	s9 =	sshrl.u32 s2, $0x1  }
0x8: {  	[smem:$0x7FF] =	sst s3;
	s5 =	ssub.s32 $0x2, s4;
	s4 =	sshll.u32 s4, $0x8  }
0x9: {  	s8 =	sand.u32 $0x200, s8;
	s10 =	smul.u32 $0xC3800, s9;
	_ =	strace $0x80000047  }
0xa: {  	s29 =	sshll.u32 s9, $0xF;
	s11 =	sshrl.u32 s5, $0x1;
	s8 =	sor.u32 s4, s8  }
0xb: {  	s11 =	ssub.s32 s5, s11;
	s4 =	sor.u32 s10, s8;
	s30 =	sor.u32 $0x80, s8  }
0xc: {  	s8 =	sor.u32 s29, s8;
	s4 =	sshrl.u32 s4, $0x3;
	s10 =	sor.u32 s10, s30  }
0xd: {  	s8 =	sshrl.u32 s8, $0x3;
	s9 =	sor.u32 s29, s30;
	s4 =	sadd.s32 s6, s4  }
0xe: {  	s10 =	sshrl.u32 s10, $0x3;
	s5 =	sadd.s32 s7, s8;
	s31 =	sshrl.u32 s9, $0x3  }
0xf: {  	s8 =	smax.u32 s11, $0x1;
	s9 =	simm.s32 $0x80;
	s11 =	simm.s32 $0x1000  }
0x10: {  	s6 =	sadd.s32 s6, s10;
	s7 =	sadd.s32 s7, s31;
	s10 =	simm.s32 $0x400  }
.LBB2_1:
0x11: {  	[tilespmem:s3], [sflag:$0x1] =	stream.linear.gather [hbm4b:s1+s3], $0x1000, $0x38;
	[tilespmem:$0x1B700] =	vst v63  }
0x12: {  	_ = 	snop  }
0x13: {  	[tilespmem:s11], [sflag:$0x2] =	stream.strided.gather [hbm4b:s4+s9], $0x18700, s10, s9, $0x38;
	[tilespmem:$0x1B700] =	vst v63  }
0x14: {  	_ =	swait.ge [sflag:s12], $0x1000  }
0x15: {  	[sflag:s12] =	ssyncset.done $0x0  }
0x16: {  	[sflag:s12] =	ssyncadd.s32 $0xFFFFF000  }
0x17: {  	_ =	swait.ge [sflag:s13], $0x18700  }
0x18: {  	s16 =	simm.s32 $0xFFFFFFF8;
	[sflag:s13] =	ssyncset.done $0x0  }
0x19: {  	s17 =	simm.s32 $0x40;
	s18 =	simm.s32 $0x19740;
	[sflag:s13] =	ssyncadd.s32 $0xFFFE7900  }
.LBB2_2:
0x1a: {  	v0 =	vld [tilespmem:s17+$0xFFFFFFC0];
	_ =	sdelay $0x7  }
0x1b: {  	v0 =	vld.idx.msk [tilespmem:v0+s11+$0x0], $0xffff;
	_ =	sdelay $0x4  }
0x1c: {  	[tilespmem:s18+$0xFFFFFFC0] =	vst v0  }
0x1d: {  	v0 =	vld [tilespmem:s17+$0xFFFFFFD0];
	_ =	sdelay $0x7  }
0x1e: {  	v0 =	vld.idx.msk [tilespmem:v0+s11+$0x0], $0xffff;
	_ =	sdelay $0x4  }
0x1f: {  	[tilespmem:s18+$0xFFFFFFD0] =	vst v0  }
0x20: {  	v0 =	vld [tilespmem:s17+$0xFFFFFFE0];
	_ =	sdelay $0x7  }
0x21: {  	v0 =	vld.idx.msk [tilespmem:v0+s11+$0x0], $0xffff;
	_ =	sdelay $0x4  }
0x22: {  	[tilespmem:s18+$0xFFFFFFE0] =	vst v0  }
0x23: {  	v0 =	vld [tilespmem:s17+$0xFFFFFFF0];
	_ =	sdelay $0x7  }
0x24: {  	v0 =	vld.idx.msk [tilespmem:v0+s11+$0x0], $0xffff;
	_ =	sdelay $0x4  }
0x25: {  	[tilespmem:s18+$0xFFFFFFF0] =	vst v0  }
0x26: {  	v0 =	vld [tilespmem:s17+$0x0];
	_ =	sdelay $0x7  }
0x27: {  	v0 =	vld.idx.msk [tilespmem:v0+s11+$0x0], $0xffff;
	_ =	sdelay $0x4  }
0x28: {  	[tilespmem:s18+$0x0] =	vst v0  }
0x29: {  	v0 =	vld [tilespmem:s17+$0x10];
	_ =	sdelay $0x7  }
0x2a: {  	v0 =	vld.idx.msk [tilespmem:v0+s11+$0x0], $0xffff;
	_ =	sdelay $0x4  }
0x2b: {  	[tilespmem:s18+$0x10] =	vst v0  }
0x2c: {  	v0 =	vld [tilespmem:s17+$0x20];
	_ =	sdelay $0x7  }
0x2d: {  	v0 =	vld.idx.msk [tilespmem:v0+s11+$0x0], $0xffff;
	_ =	sdelay $0x4  }
0x2e: {  	[tilespmem:s18+$0x20] =	vst v0  }
0x2f: {  	v0 =	vld [tilespmem:s17+$0x30];
	_ =	sdelay $0x6  }
0x30: {  	s16 =	sadd.s32 $0x8, s16  }
0x31: {  	p0 =	slt.u32 s16, $0xF8;
	v0 =	vld.idx.msk [tilespmem:v0+s11+$0x0], $0xffff  }
.Ltmp0:
0x32: {  	_ = 	snop;
	(pc) =	sbr.rel @p0 .LBB2_2-.Ltmp0, $2  }
0x33: {  	_ =	sdelay $0x2  }
0x34: {  	s17 =	sadd.s32 $0x80, s17;
	[tilespmem:s18+$0x30] =	vst v0;
	s18 =	sadd.s32 $0x100, s18  }
0x35: {  	s16 =	simm.s32 $0x19700  }
0x36: {  	s17 =	simm.s32 $0x80;
	s19 =	sadd.s32 $0x0, s5;
	s18 =	simm.s32 $0x19800  }
.LBB2_4:
0x37: {  	[hbm4b:s19+s3] =	stream.linear.scatter [tilespmem:s16], [sflag:$0x3], $0x80, $0x38;
	[tilespmem:$0x1B700] =	vst v63  }
0x38: {  	s19 =	smov.u32 s17;
	s16 =	smov.u32 s18;
	p0 =	sne.s32 s17, $0xF80  }
.Ltmp1:
0x39: {  	s17 =	sadd.s32 $0x80, s17;
	(pc) =	sbr.rel @p0 .LBB2_4-.Ltmp1, $2  }
0x3a: {  	_ =	sdelay $0x2  }
0x3b: {  	s18 =	sadd.s32 $0x100, s18;
	s19 =	sadd.s32 s19, s5  }
0x3c: {  	[hbm4b:s19+s3] =	stream.linear.scatter [tilespmem:s16], [sflag:$0x3], $0x80, $0x38;
	[tilespmem:$0x1B700] =	vst v63  }
0x3d: {  	_ = 	snop  }
0x3e: {  	[tilespmem:s11], [sflag:$0x2] =	stream.strided.gather [hbm4b:s6+s9], $0x18700, s10, s9, $0x38;
	[tilespmem:$0x1B700] =	vst v63  }
0x3f: {  	_ =	swait.ge [sflag:s13], $0x18700  }
0x40: {  	s16 =	simm.s32 $0xFFFFFFF8;
	[sflag:s13] =	ssyncset.done $0x0  }
0x41: {  	s17 =	simm.s32 $0x40;
	s18 =	simm.s32 $0x197F0;
	[sflag:s13] =	ssyncadd.s32 $0xFFFE7900  }
.LBB2_6:
0x42: {  	v0 =	vld [tilespmem:s17+$0xFFFFFFC0];
	_ =	sdelay $0x7  }
0x43: {  	v0 =	vld.idx.msk [tilespmem:v0+s11+$0x0], $0xffff;
	_ =	sdelay $0x4  }
0x44: {  	[tilespmem:s18+$0xFFFFFF90] =	vst v0  }
0x45: {  	v0 =	vld [tilespmem:s17+$0xFFFFFFD0];
	_ =	sdelay $0x7  }
0x46: {  	v0 =	vld.idx.msk [tilespmem:v0+s11+$0x0], $0xffff;
	_ =	sdelay $0x4  }
0x47: {  	[tilespmem:s18+$0xFFFFFFA0] =	vst v0  }
0x48: {  	v0 =	vld [tilespmem:s17+$0xFFFFFFE0];
	_ =	sdelay $0x7  }
0x49: {  	v0 =	vld.idx.msk [tilespmem:v0+s11+$0x0], $0xffff;
	_ =	sdelay $0x4  }
0x4a: {  	[tilespmem:s18+$0xFFFFFFB0] =	vst v0  }
0x4b: {  	v0 =	vld [tilespmem:s17+$0xFFFFFFF0];
	_ =	sdelay $0x7  }
0x4c: {  	v0 =	vld.idx.msk [tilespmem:v0+s11+$0x0], $0xffff;
	_ =	sdelay $0x4  }
0x4d: {  	[tilespmem:s18+$0xFFFFFFC0] =	vst v0  }
0x4e: {  	v0 =	vld [tilespmem:s17+$0x0];
	_ =	sdelay $0x7  }
0x4f: {  	v0 =	vld.idx.msk [tilespmem:v0+s11+$0x0], $0xffff;
	_ =	sdelay $0x4  }
0x50: {  	[tilespmem:s18+$0xFFFFFFD0] =	vst v0  }
0x51: {  	v0 =	vld [tilespmem:s17+$0x10];
	_ =	sdelay $0x7  }
0x52: {  	v0 =	vld.idx.msk [tilespmem:v0+s11+$0x0], $0xffff;
	_ =	sdelay $0x4  }
0x53: {  	[tilespmem:s18+$0xFFFFFFE0] =	vst v0  }
0x54: {  	v0 =	vld [tilespmem:s17+$0x20];
	_ =	sdelay $0x7  }
0x55: {  	v0 =	vld.idx.msk [tilespmem:v0+s11+$0x0], $0xffff;
	_ =	sdelay $0x4  }
0x56: {  	[tilespmem:s18+$0xFFFFFFF0] =	vst v0  }
0x57: {  	v0 =	vld [tilespmem:s17+$0x30];
	_ =	sdelay $0x6  }
0x58: {  	s16 =	sadd.s32 $0x8, s16  }
0x59: {  	p0 =	slt.u32 s16, $0xF8;
	v0 =	vld.idx.msk [tilespmem:v0+s11+$0x0], $0xffff  }
.Ltmp2:
0x5a: {  	_ = 	snop;
	(pc) =	sbr.rel @p0 .LBB2_6-.Ltmp2, $2  }
0x5b: {  	_ =	sdelay $0x2  }
0x5c: {  	s17 =	sadd.s32 $0x80, s17;
	[tilespmem:s18+$0x0] =	vst v0;
	s18 =	sadd.s32 $0x100, s18  }
0x5d: {  	s16 =	simm.s32 $0x19780  }
0x5e: {  	s17 =	simm.s32 $0x80;
	s19 =	sadd.s32 $0x0, s7;
	s18 =	simm.s32 $0x19880  }
.LBB2_8:
0x5f: {  	[hbm4b:s19+s3] =	stream.linear.scatter [tilespmem:s16], [sflag:$0x3], $0x80, $0x38;
	[tilespmem:$0x1B700] =	vst v63  }
0x60: {  	s19 =	smov.u32 s17;
	s16 =	smov.u32 s18;
	p0 =	sne.s32 s17, $0xF80  }
.Ltmp3:
0x61: {  	s17 =	sadd.s32 $0x80, s17;
	(pc) =	sbr.rel @p0 .LBB2_8-.Ltmp3, $2  }
0x62: {  	_ =	sdelay $0x2  }
0x63: {  	s18 =	sadd.s32 $0x100, s18;
	s19 =	sadd.s32 s19, s7  }
0x64: {  	[hbm4b:s19+s3] =	stream.linear.scatter [tilespmem:s16], [sflag:$0x3], $0x80, $0x38;
	[tilespmem:$0x1B700] =	vst v63  }
0x65: {  	s15 =	sadd.s32 $0x1, s15  }
0x66: {  	_ =	swait.ge [sflag:s14], $0x1000;
	p0 =	sne.s32 s15, s8  }
.Ltmp4:
0x67: {  	[sflag:s14] =	ssyncset.done $0x0;
	(pc) =	sbr.rel @p0 .LBB2_1-.Ltmp4, $4  }
0x68: {  	[sflag:s14] =	ssyncadd.s32 $0xFFFFF000  }
0x69: {  	_ =	swait.ge [sflag:s14], $0x1000  }
0x6a: {  	[sflag:s14] =	ssyncset.done $0x0  }
0x6b: {  	[sflag:s14] =	ssyncadd.s32 $0xFFFFF000  }
0x6c: {  	_ =	sfence.sel $0x180000  }
0x6d: {  	[bflag:$0x0] =	sbarrier.arrive $0xFFFF  }
0x6e: {  	p0 =	sne.s32 s2, $0x0;
	_ =	strace $0x90000047  }
0x6f: {  	s0 =	sadd.s32 @!p0 $0x100000, s0;
	[bflag:$0x2] =	sbarrier.arrive $0xFFFF  }
0x70: {  	[sflag:s0] =	ssyncadd.tile.s32 @!p0 $0x1;
	_ =	shalt  }
.Lfunc_end2:
_tile_overlayer_lowered:
.L_overlay_start_2:
0x71: {  	(tag) =	ssettag $0x2  }
0x72: {  	s0 =	rddreg [dreg:$0x0];
	s2 =	stileid.u32  }
0x73: {  	s1 =	rddreg [dreg:$0x1];
	p0 =	sne.s32 s2, $0x0  }
0x74: {  	s3 =	rddreg [dreg:$0x2];
	[bflag:$0x3] =	sbarrier.arrive $0xFFFF;
	s2 =	simm.s32 @!p0 $0x1C04  }
0x75: {  	[timem:s3], [sflag:s2] =	dma.local @!p0 [hbm:s0], s1  }
0x76: {  	s0 =	simm.s32 @!p0 $0x4  }
0x77: {  	_ =	swait.ge @!p0 [sflag:s0], s1  }
0x78: {  	s1 =	ssub.s32 @!p0 $0x0, s1;
	[sflag:s0] =	ssyncset.done @!p0 $0x0  }
0x79: {  	[sflag:s0] =	ssyncadd.s32 @!p0 s1  }
0x7a: {  	[bflag:$0x3] =	sbarrier.arrive $0xFFFF  }
0x7b: {  	_ =	shalt  }

</sc_bundles>
